<compile_context>
chip_gen: v7x
topology: tpu7x:2x2x1
jax: 0.10.2.dev20260603
libtpu: 0.0.44.dev20260713+nightly
codegen_flags: <defaults>
</compile_context>

<pallas_src>
import functools

import jax
import jax.numpy as jnp
import numpy as np
from jax.experimental import pallas as pl
from jax.experimental.pallas import tpu as pltpu

_DEPTH = 10

_LVL = [np.array([0], dtype=np.int64)]
for _d in range(_DEPTH):
    _LVL.append(np.concatenate([2 * _LVL[_d] + 1, 2 * _LVL[_d] + 2]))

_XA_NODES = np.empty(1792, dtype=np.int64)
for _d in range(7):
    _XA_NODES[_d * 128:(_d + 1) * 128] = _LVL[_d][np.arange(128) % (2 ** _d)]
_XA_NODES[896:1024] = _LVL[7]
_XA_NODES[1024:1280] = _LVL[8]
_XA_NODES[1280:1792] = _LVL[9]
_XA_ROW_IDX = _XA_NODES.astype(np.int32)

_Z_NODES = np.full(2048, -1, dtype=np.int64)
for _d in range(7):
    _Z_NODES[2 ** _d - 1: 2 ** (_d + 1) - 1] = _LVL[_d]
_Z_NODES[128:256] = _LVL[7]
_Z_NODES[256:512] = _LVL[8]
_Z_NODES[512:1024] = _LVL[9]
_Z_NODES[1024:2048] = _LVL[10]
_W_COL_IDX = np.where(_Z_NODES >= 0, 513 + _Z_NODES, 512).astype(np.int32)

_PA = np.zeros((1792, 1023), np.float32)
_PA[np.arange(1792), _XA_ROW_IDX] = 1.0
_QW = np.zeros((2560, 2048), np.float32)
_QW[_W_COL_IDX, np.arange(2048)] = 1.0

_BT = 256


def _rot(x, k):
    return pltpu.roll(x, (-k) % x.shape[1], 1)


def _clip01(x):
    return jnp.clip(x, 0.0, 1.0)


def _tree_kernel(x1_ref, x2_ref, ap_ref, ab_ref, w_ref, wz_ref, out_ref):
    f32 = jnp.float32
    bt = x1_ref.shape[0]

    xa = jax.lax.dot_general(
        x2_ref[...], ap_ref[:, 0:512], (((1,), (1,)), ((), ())),
        preferred_element_type=f32) + ab_ref[...]

    lane = jax.lax.broadcasted_iota(jnp.int32, (bt, 128), 1)
    bit = [(lane & (1 << s)) != 0 for s in range(7)]
    lvl = [(lane >= 2 ** d - 1) & (lane < 2 ** (d + 1) - 1) for d in range(7)]

    u = jnp.ones((bt, 128), f32)
    s_group = jnp.zeros((bt, 128), f32)
    for d in range(7):
        s_group = jnp.where(lvl[d], _rot(u, 1), s_group)
        xt = xa[:, d * 128:(d + 1) * 128]
        signed = jnp.where(bit[d], -xt, xt)
        u = jnp.minimum(u, _clip01(signed))
    s_group = jnp.where(lane == 127, 1.0, s_group)
    q7 = u

    xa7 = xa[:, 896:1024]
    xa8 = xa[:, 1024:1280]
    xa9 = xa[:, 1280:1792]
    q8 = jnp.concatenate(
        [jnp.minimum(q7, _clip01(xa7)), jnp.minimum(q7, _clip01(-xa7))], axis=1)
    q9 = jnp.concatenate(
        [jnp.minimum(q8, _clip01(xa8)), jnp.minimum(q8, _clip01(-xa8))], axis=1)
    q10 = jnp.concatenate(
        [jnp.minimum(q9, _clip01(xa9)), jnp.minimum(q9, _clip01(-xa9))], axis=1)
    z = jnp.concatenate([s_group, q7, q8, q9, q10], axis=1)

    out = jax.lax.dot_general(
        x1_ref[...], w_ref[:, 0:512], (((1,), (1,)), ((), ())),
        preferred_element_type=f32)
    out += jax.lax.dot_general(
        z, wz_ref[...], (((1,), (1,)), ((), ())),
        preferred_element_type=f32)
    out_ref[...] = out


@jax.jit
def kernel(X1, X2, A, W):
    batch, in1 = X1.shape
    out_dim = W.shape[0]
    f32 = jnp.float32

    ap = jnp.dot(jnp.asarray(_PA), A.astype(f32))
    ab = jnp.take(A[:, in1].astype(f32), _XA_ROW_IDX)[None, :]
    wzb = jnp.dot(W.astype(f32), jnp.asarray(_QW))

    grid = (batch // _BT,)
    out = pl.pallas_call(
        _tree_kernel,
        grid=grid,
        in_specs=[
            pl.BlockSpec((_BT, in1), lambda i: (i, 0)),
            pl.BlockSpec((_BT, X2.shape[1]), lambda i: (i, 0)),
            pl.BlockSpec((1792, A.shape[1]), lambda i: (0, 0)),
            pl.BlockSpec((1, 1792), lambda i: (0, 0)),
            pl.BlockSpec((out_dim, W.shape[1]), lambda i: (0, 0)),
            pl.BlockSpec((out_dim, 2048), lambda i: (0, 0)),
        ],
        out_specs=pl.BlockSpec((_BT, out_dim), lambda i: (i, 0)),
        out_shape=jax.ShapeDtypeStruct((batch, out_dim), f32),
        compiler_params=pltpu.CompilerParams(
            dimension_semantics=("parallel",)),
    )(X1.astype(f32), X2.astype(f32), ap, ab, W.astype(f32), wzb)
    return out

# --- scband reference (transcript-rebuilt; emitter-appended) ---
"""Pipeline reference for scband-linear-regressor-68796786147763 (READ-ONLY COPY).

The authoritative reference and input builder live on the scoring server;
editing this copy changes nothing except your own understanding.
"""

import jax, jax.numpy as jnp
import numpy as np

BST_DEPTH = 10
IN1 = 512
IN2 = 512
OUT = 128
BATCH = 16384
NB_SPLIT = 2 ** BST_DEPTH - 1
NB_NODES = 2 ** (BST_DEPTH + 1) - 1
SPLIT = jnp.arange(NB_SPLIT)
DESC_L = 2 * SPLIT + 1
DESC_R = 2 * SPLIT + 2


def setup_inputs(seed: int = 0) -> dict:
    key = jax.random.key(seed)
    k1, k2, k3, k4 = jax.random.split(key, 4)
    X1 = jax.random.normal(k1, (BATCH, IN1), dtype=jnp.float32)
    X2 = jax.random.normal(k2, (BATCH, IN2), dtype=jnp.float32)
    # LPSparseMAP.A: torch.rand(nb_split, dim) with dim = in_size2 + 1
    A = jax.random.uniform(k3, (NB_SPLIT, IN2 + 1), dtype=jnp.float32)
    # predictor: Linear(in_size1 + 1 + nb_nodes, out_size, bias=False); weight [out, in]
    fan_in = IN1 + 1 + NB_NODES
    bound = 1.0 / np.sqrt(fan_in)
    W = jax.random.uniform(k4, (OUT, fan_in), dtype=jnp.float32, minval=-bound, maxval=bound)
    return {"X1": X1, "X2": X2, "A": A, "W": W}


def _sparsemap(x2, A):
    XA = x2 @ A.T  # [B, nb_split]
    B = x2.shape[0]
    q = jnp.ones((B, NB_NODES), dtype=x2.dtype)
    # initial scatter writes (sequential semantics, matching torch in-place)
    q = q.at[:, DESC_L].set(jnp.minimum(q[:, SPLIT], XA))
    q = q.at[:, DESC_R].set(jnp.minimum(q[:, SPLIT], -XA))
    for _ in range(BST_DEPTH):
        q = q.at[:, DESC_L].set(jnp.minimum(q[:, DESC_L], q[:, SPLIT]))
        q = q.at[:, DESC_R].set(jnp.minimum(q[:, DESC_R], q[:, SPLIT]))
    return jnp.clip(q, 0.0, 1.0)


def reference(X1, X2, A, W):
    ones1 = jnp.ones((X1.shape[0], 1), dtype=X1.dtype)
    ones2 = jnp.ones((X2.shape[0], 1), dtype=X2.dtype)
    x1 = jnp.concatenate([X1, ones1], axis=1)
    x2 = jnp.concatenate([X2, ones2], axis=1)
    z = _sparsemap(x2, A)
    xz = jnp.concatenate([x1, z], axis=1)
    return xz @ W.T

if __name__ == "__main__":
    import jax
    _d = setup_inputs()
    print(jax.jit(kernel)(*tuple(_d.values())))

</pallas_src>

<mosaic_0001>
module attributes {stable_mosaic.version = 14 : i64} {
  func.func @_tree_kernel(%arg0: i32, %arg1: memref<256x512xf32, #tpu.memory_space<vmem>>, %arg2: memref<256x512xf32, #tpu.memory_space<vmem>>, %arg3: memref<1792x513xf32, #tpu.memory_space<vmem>>, %arg4: memref<1x1792xf32, #tpu.memory_space<vmem>>, %arg5: memref<128x2560xf32, #tpu.memory_space<vmem>>, %arg6: memref<128x2048xf32, #tpu.memory_space<vmem>>, %arg7: memref<256x128xf32, #tpu.memory_space<vmem>>) attributes {dimension_semantics = [#tpu.dimension_semantics<parallel>], iteration_bounds = array<i64: 64>, scalar_prefetch = 0 : i64, scratch_operands = 0 : i64, tpu.core_type = #tpu.core_type<tc>, window_params = [{transform_indices = @transform_0, window_bounds = array<i64: 256, 512>}, {transform_indices = @transform_1, window_bounds = array<i64: 256, 512>}, {pipeline_mode = #tpu.pipeline_mode<synchronous>, transform_indices = @transform_2, window_bounds = array<i64: 1792, 513>}, {pipeline_mode = #tpu.pipeline_mode<synchronous>, transform_indices = @transform_3, window_bounds = array<i64: 1, 1792>}, {pipeline_mode = #tpu.pipeline_mode<synchronous>, transform_indices = @transform_4, window_bounds = array<i64: 128, 2560>}, {pipeline_mode = #tpu.pipeline_mode<synchronous>, transform_indices = @transform_5, window_bounds = array<i64: 128, 2048>}, {transform_indices = @transform_6, window_bounds = array<i64: 256, 128>}]} {
    %get3A = arith.constant 0 : index
    %get3A_0 = arith.constant 0 : index
    %get3A_1 = vector.load %arg2[%get3A, %get3A_0] : memref<256x512xf32, #tpu.memory_space<vmem>>, vector<256x512xf32>
    %get3A_2 = arith.constant 0 : index
    %get3A_3 = arith.constant 0 : index
    %get3A_4 = vector.load %arg3[%get3A_2, %get3A_3] : memref<1792x513xf32, #tpu.memory_space<vmem>>, vector<1792x512xf32>
    %dot_general3A = arith.constant dense<0.000000e+00> : vector<256x1792xf32>
    %dot_general3A_5 = tpu.matmul %get3A_1, %get3A_4, %dot_general3A {dimension_numbers = #tpu.dot_dimension_numbers<[1], [1], [0], [0], [0, 0, 1, 0], [], []>, transpose_lhs_hint = false} : vector<256x512xf32>, vector<1792x512xf32>, vector<256x1792xf32> -> vector<256x1792xf32>
    %get3A_6 = arith.constant 0 : index
    %get3A_7 = arith.constant 0 : index
    %get3A_8 = vector.load %arg4[%get3A_6, %get3A_7] : memref<1x1792xf32, #tpu.memory_space<vmem>>, vector<1x1792xf32>
    %add3A = vector.broadcast %get3A_8 : vector<1x1792xf32> to vector<256x1792xf32>
    %add3A_9 = arith.addf %dot_general3A_5, %add3A : vector<256x1792xf32>
    %iota3A = tpu.iota {dimensions = array<i32: 1>} : vector<256x128xi32>
    %and3A = arith.constant 1 : i32
    %and3A_10 = vector.broadcast %and3A : i32 to vector<256x128xi32>
    %and3A_11 = arith.andi %iota3A, %and3A_10 : vector<256x128xi32>
    %ne3A = arith.constant 0 : i32
    %ne3A_12 = vector.broadcast %ne3A : i32 to vector<256x128xi32>
    %ne3A_13 = arith.cmpi ne, %and3A_11, %ne3A_12 : vector<256x128xi32>
    %and3A_14 = arith.constant 2 : i32
    %and3A_15 = vector.broadcast %and3A_14 : i32 to vector<256x128xi32>
    %and3A_16 = arith.andi %iota3A, %and3A_15 : vector<256x128xi32>
    %ne3A_17 = arith.constant 0 : i32
    %ne3A_18 = vector.broadcast %ne3A_17 : i32 to vector<256x128xi32>
    %ne3A_19 = arith.cmpi ne, %and3A_16, %ne3A_18 : vector<256x128xi32>
    %and3A_20 = arith.constant 4 : i32
    %and3A_21 = vector.broadcast %and3A_20 : i32 to vector<256x128xi32>
    %and3A_22 = arith.andi %iota3A, %and3A_21 : vector<256x128xi32>
    %ne3A_23 = arith.constant 0 : i32
    %ne3A_24 = vector.broadcast %ne3A_23 : i32 to vector<256x128xi32>
    %ne3A_25 = arith.cmpi ne, %and3A_22, %ne3A_24 : vector<256x128xi32>
    %and3A_26 = arith.constant 8 : i32
    %and3A_27 = vector.broadcast %and3A_26 : i32 to vector<256x128xi32>
    %and3A_28 = arith.andi %iota3A, %and3A_27 : vector<256x128xi32>
    %ne3A_29 = arith.constant 0 : i32
    %ne3A_30 = vector.broadcast %ne3A_29 : i32 to vector<256x128xi32>
    %ne3A_31 = arith.cmpi ne, %and3A_28, %ne3A_30 : vector<256x128xi32>
    %and3A_32 = arith.constant 16 : i32
    %and3A_33 = vector.broadcast %and3A_32 : i32 to vector<256x128xi32>
    %and3A_34 = arith.andi %iota3A, %and3A_33 : vector<256x128xi32>
    %ne3A_35 = arith.constant 0 : i32
    %ne3A_36 = vector.broadcast %ne3A_35 : i32 to vector<256x128xi32>
    %ne3A_37 = arith.cmpi ne, %and3A_34, %ne3A_36 : vector<256x128xi32>
    %and3A_38 = arith.constant 32 : i32
    %and3A_39 = vector.broadcast %and3A_38 : i32 to vector<256x128xi32>
    %and3A_40 = arith.andi %iota3A, %and3A_39 : vector<256x128xi32>
    %ne3A_41 = arith.constant 0 : i32
    %ne3A_42 = vector.broadcast %ne3A_41 : i32 to vector<256x128xi32>
    %ne3A_43 = arith.cmpi ne, %and3A_40, %ne3A_42 : vector<256x128xi32>
    %and3A_44 = arith.constant 64 : i32
    %and3A_45 = vector.broadcast %and3A_44 : i32 to vector<256x128xi32>
    %and3A_46 = arith.andi %iota3A, %and3A_45 : vector<256x128xi32>
    %ne3A_47 = arith.constant 0 : i32
    %ne3A_48 = vector.broadcast %ne3A_47 : i32 to vector<256x128xi32>
    %ne3A_49 = arith.cmpi ne, %and3A_46, %ne3A_48 : vector<256x128xi32>
    %ge3A = arith.constant 0 : i32
    %ge3A_50 = vector.broadcast %ge3A : i32 to vector<256x128xi32>
    %ge3A_51 = arith.cmpi sge, %iota3A, %ge3A_50 : vector<256x128xi32>
    %lt3A = arith.constant 1 : i32
    %lt3A_52 = vector.broadcast %lt3A : i32 to vector<256x128xi32>
    %lt3A_53 = arith.cmpi slt, %iota3A, %lt3A_52 : vector<256x128xi32>
    %and3A_54 = arith.andi %ge3A_51, %lt3A_53 : vector<256x128xi1>
    %ge3A_55 = arith.constant 1 : i32
    %ge3A_56 = vector.broadcast %ge3A_55 : i32 to vector<256x128xi32>
    %ge3A_57 = arith.cmpi sge, %iota3A, %ge3A_56 : vector<256x128xi32>
    %lt3A_58 = arith.constant 3 : i32
    %lt3A_59 = vector.broadcast %lt3A_58 : i32 to vector<256x128xi32>
    %lt3A_60 = arith.cmpi slt, %iota3A, %lt3A_59 : vector<256x128xi32>
    %and3A_61 = arith.andi %ge3A_57, %lt3A_60 : vector<256x128xi1>
    %ge3A_62 = arith.constant 3 : i32
    %ge3A_63 = vector.broadcast %ge3A_62 : i32 to vector<256x128xi32>
    %ge3A_64 = arith.cmpi sge, %iota3A, %ge3A_63 : vector<256x128xi32>
    %lt3A_65 = arith.constant 7 : i32
    %lt3A_66 = vector.broadcast %lt3A_65 : i32 to vector<256x128xi32>
    %lt3A_67 = arith.cmpi slt, %iota3A, %lt3A_66 : vector<256x128xi32>
    %and3A_68 = arith.andi %ge3A_64, %lt3A_67 : vector<256x128xi1>
    %ge3A_69 = arith.constant 7 : i32
    %ge3A_70 = vector.broadcast %ge3A_69 : i32 to vector<256x128xi32>
    %ge3A_71 = arith.cmpi sge, %iota3A, %ge3A_70 : vector<256x128xi32>
    %lt3A_72 = arith.constant 15 : i32
    %lt3A_73 = vector.broadcast %lt3A_72 : i32 to vector<256x128xi32>
    %lt3A_74 = arith.cmpi slt, %iota3A, %lt3A_73 : vector<256x128xi32>
    %and3A_75 = arith.andi %ge3A_71, %lt3A_74 : vector<256x128xi1>
    %ge3A_76 = arith.constant 15 : i32
    %ge3A_77 = vector.broadcast %ge3A_76 : i32 to vector<256x128xi32>
    %ge3A_78 = arith.cmpi sge, %iota3A, %ge3A_77 : vector<256x128xi32>
    %lt3A_79 = arith.constant 31 : i32
    %lt3A_80 = vector.broadcast %lt3A_79 : i32 to vector<256x128xi32>
    %lt3A_81 = arith.cmpi slt, %iota3A, %lt3A_80 : vector<256x128xi32>
    %and3A_82 = arith.andi %ge3A_78, %lt3A_81 : vector<256x128xi1>
    %ge3A_83 = arith.constant 31 : i32
    %ge3A_84 = vector.broadcast %ge3A_83 : i32 to vector<256x128xi32>
    %ge3A_85 = arith.cmpi sge, %iota3A, %ge3A_84 : vector<256x128xi32>
    %lt3A_86 = arith.constant 63 : i32
    %lt3A_87 = vector.broadcast %lt3A_86 : i32 to vector<256x128xi32>
    %lt3A_88 = arith.cmpi slt, %iota3A, %lt3A_87 : vector<256x128xi32>
    %and3A_89 = arith.andi %ge3A_85, %lt3A_88 : vector<256x128xi1>
    %ge3A_90 = arith.constant 63 : i32
    %ge3A_91 = vector.broadcast %ge3A_90 : i32 to vector<256x128xi32>
    %ge3A_92 = arith.cmpi sge, %iota3A, %ge3A_91 : vector<256x128xi32>
    %lt3A_93 = arith.constant 127 : i32
    %lt3A_94 = vector.broadcast %lt3A_93 : i32 to vector<256x128xi32>
    %lt3A_95 = arith.cmpi slt, %iota3A, %lt3A_94 : vector<256x128xi32>
    %and3A_96 = arith.andi %ge3A_92, %lt3A_95 : vector<256x128xi1>
    %broadcast_in_dim3A = arith.constant 1.000000e+00 : f32
    %broadcast_in_dim3A_97 = vector.broadcast %broadcast_in_dim3A : f32 to vector<256x128xf32>
    %broadcast_in_dim3A_98 = arith.constant 0.000000e+00 : f32
    %broadcast_in_dim3A_99 = vector.broadcast %broadcast_in_dim3A_98 : f32 to vector<256x128xf32>
    %roll3A = arith.constant 127 : i32
    %roll3A_100 = tpu.dynamic_rotate %broadcast_in_dim3A_97 by %roll3A dim 1 : vector<256x128xf32>, i32 -> vector<256x128xf32>
    %select_n3A = arith.select %and3A_54, %roll3A_100, %broadcast_in_dim3A_99 : vector<256x128xi1>, vector<256x128xf32>
    %slice3A = vector.extract_strided_slice %add3A_9 {offsets = [0, 0], sizes = [256, 128], strides = [1, 1]} : vector<256x1792xf32> to vector<256x128xf32>
    %neg3A = arith.constant 0.000000e+00 : f32
    %neg3A_101 = vector.broadcast %neg3A : f32 to vector<256x128xf32>
    %neg3A_102 = arith.subf %neg3A_101, %slice3A : vector<256x128xf32>
    %select_n3A_103 = arith.select %ne3A_13, %neg3A_102, %slice3A : vector<256x128xi1>, vector<256x128xf32>
    %jit3A = arith.constant 0.000000e+00 : f32
    %jit3A_104 = arith.constant 1.000000e+00 : f32
    %max3A = vector.broadcast %jit3A : f32 to vector<256x128xf32>
    %max3A_105 = arith.maximumf %max3A, %select_n3A_103 : vector<256x128xf32>
    %min3A = vector.broadcast %jit3A_104 : f32 to vector<256x128xf32>
    %min3A_106 = arith.minimumf %min3A, %max3A_105 : vector<256x128xf32>
    %min3A_107 = arith.minimumf %broadcast_in_dim3A_97, %min3A_106 : vector<256x128xf32>
    %roll3A_108 = arith.constant 127 : i32
    %roll3A_109 = tpu.dynamic_rotate %min3A_107 by %roll3A_108 dim 1 : vector<256x128xf32>, i32 -> vector<256x128xf32>
    %select_n3A_110 = arith.select %and3A_61, %roll3A_109, %select_n3A : vector<256x128xi1>, vector<256x128xf32>
    %slice3A_111 = vector.extract_strided_slice %add3A_9 {offsets = [0, 128], sizes = [256, 128], strides = [1, 1]} : vector<256x1792xf32> to vector<256x128xf32>
    %neg3A_112 = arith.constant 0.000000e+00 : f32
    %neg3A_113 = vector.broadcast %neg3A_112 : f32 to vector<256x128xf32>
    %neg3A_114 = arith.subf %neg3A_113, %slice3A_111 : vector<256x128xf32>
    %select_n3A_115 = arith.select %ne3A_19, %neg3A_114, %slice3A_111 : vector<256x128xi1>, vector<256x128xf32>
    %jit3A_116 = arith.constant 0.000000e+00 : f32
    %jit3A_117 = arith.constant 1.000000e+00 : f32
    %max3A_118 = vector.broadcast %jit3A_116 : f32 to vector<256x128xf32>
    %max3A_119 = arith.maximumf %max3A_118, %select_n3A_115 : vector<256x128xf32>
    %min3A_120 = vector.broadcast %jit3A_117 : f32 to vector<256x128xf32>
    %min3A_121 = arith.minimumf %min3A_120, %max3A_119 : vector<256x128xf32>
    %min3A_122 = arith.minimumf %min3A_107, %min3A_121 : vector<256x128xf32>
    %roll3A_123 = arith.constant 127 : i32
    %roll3A_124 = tpu.dynamic_rotate %min3A_122 by %roll3A_123 dim 1 : vector<256x128xf32>, i32 -> vector<256x128xf32>
    %select_n3A_125 = arith.select %and3A_68, %roll3A_124, %select_n3A_110 : vector<256x128xi1>, vector<256x128xf32>
    %slice3A_126 = vector.extract_strided_slice %add3A_9 {offsets = [0, 256], sizes = [256, 128], strides = [1, 1]} : vector<256x1792xf32> to vector<256x128xf32>
    %neg3A_127 = arith.constant 0.000000e+00 : f32
    %neg3A_128 = vector.broadcast %neg3A_127 : f32 to vector<256x128xf32>
    %neg3A_129 = arith.subf %neg3A_128, %slice3A_126 : vector<256x128xf32>
    %select_n3A_130 = arith.select %ne3A_25, %neg3A_129, %slice3A_126 : vector<256x128xi1>, vector<256x128xf32>
    %jit3A_131 = arith.constant 0.000000e+00 : f32
    %jit3A_132 = arith.constant 1.000000e+00 : f32
    %max3A_133 = vector.broadcast %jit3A_131 : f32 to vector<256x128xf32>
    %max3A_134 = arith.maximumf %max3A_133, %select_n3A_130 : vector<256x128xf32>
    %min3A_135 = vector.broadcast %jit3A_132 : f32 to vector<256x128xf32>
    %min3A_136 = arith.minimumf %min3A_135, %max3A_134 : vector<256x128xf32>
    %min3A_137 = arith.minimumf %min3A_122, %min3A_136 : vector<256x128xf32>
    %roll3A_138 = arith.constant 127 : i32
    %roll3A_139 = tpu.dynamic_rotate %min3A_137 by %roll3A_138 dim 1 : vector<256x128xf32>, i32 -> vector<256x128xf32>
    %select_n3A_140 = arith.select %and3A_75, %roll3A_139, %select_n3A_125 : vector<256x128xi1>, vector<256x128xf32>
    %slice3A_141 = vector.extract_strided_slice %add3A_9 {offsets = [0, 384], sizes = [256, 128], strides = [1, 1]} : vector<256x1792xf32> to vector<256x128xf32>
    %neg3A_142 = arith.constant 0.000000e+00 : f32
    %neg3A_143 = vector.broadcast %neg3A_142 : f32 to vector<256x128xf32>
    %neg3A_144 = arith.subf %neg3A_143, %slice3A_141 : vector<256x128xf32>
    %select_n3A_145 = arith.select %ne3A_31, %neg3A_144, %slice3A_141 : vector<256x128xi1>, vector<256x128xf32>
    %jit3A_146 = arith.constant 0.000000e+00 : f32
    %jit3A_147 = arith.constant 1.000000e+00 : f32
    %max3A_148 = vector.broadcast %jit3A_146 : f32 to vector<256x128xf32>
    %max3A_149 = arith.maximumf %max3A_148, %select_n3A_145 : vector<256x128xf32>
    %min3A_150 = vector.broadcast %jit3A_147 : f32 to vector<256x128xf32>
    %min3A_151 = arith.minimumf %min3A_150, %max3A_149 : vector<256x128xf32>
    %min3A_152 = arith.minimumf %min3A_137, %min3A_151 : vector<256x128xf32>
    %roll3A_153 = arith.constant 127 : i32
    %roll3A_154 = tpu.dynamic_rotate %min3A_152 by %roll3A_153 dim 1 : vector<256x128xf32>, i32 -> vector<256x128xf32>
    %select_n3A_155 = arith.select %and3A_82, %roll3A_154, %select_n3A_140 : vector<256x128xi1>, vector<256x128xf32>
    %slice3A_156 = vector.extract_strided_slice %add3A_9 {offsets = [0, 512], sizes = [256, 128], strides = [1, 1]} : vector<256x1792xf32> to vector<256x128xf32>
    %neg3A_157 = arith.constant 0.000000e+00 : f32
    %neg3A_158 = vector.broadcast %neg3A_157 : f32 to vector<256x128xf32>
    %neg3A_159 = arith.subf %neg3A_158, %slice3A_156 : vector<256x128xf32>
    %select_n3A_160 = arith.select %ne3A_37, %neg3A_159, %slice3A_156 : vector<256x128xi1>, vector<256x128xf32>
    %jit3A_161 = arith.constant 0.000000e+00 : f32
    %jit3A_162 = arith.constant 1.000000e+00 : f32
    %max3A_163 = vector.broadcast %jit3A_161 : f32 to vector<256x128xf32>
    %max3A_164 = arith.maximumf %max3A_163, %select_n3A_160 : vector<256x128xf32>
    %min3A_165 = vector.broadcast %jit3A_162 : f32 to vector<256x128xf32>
    %min3A_166 = arith.minimumf %min3A_165, %max3A_164 : vector<256x128xf32>
    %min3A_167 = arith.minimumf %min3A_152, %min3A_166 : vector<256x128xf32>
    %roll3A_168 = arith.constant 127 : i32
    %roll3A_169 = tpu.dynamic_rotate %min3A_167 by %roll3A_168 dim 1 : vector<256x128xf32>, i32 -> vector<256x128xf32>
    %select_n3A_170 = arith.select %and3A_89, %roll3A_169, %select_n3A_155 : vector<256x128xi1>, vector<256x128xf32>
    %slice3A_171 = vector.extract_strided_slice %add3A_9 {offsets = [0, 640], sizes = [256, 128], strides = [1, 1]} : vector<256x1792xf32> to vector<256x128xf32>
    %neg3A_172 = arith.constant 0.000000e+00 : f32
    %neg3A_173 = vector.broadcast %neg3A_172 : f32 to vector<256x128xf32>
    %neg3A_174 = arith.subf %neg3A_173, %slice3A_171 : vector<256x128xf32>
    %select_n3A_175 = arith.select %ne3A_43, %neg3A_174, %slice3A_171 : vector<256x128xi1>, vector<256x128xf32>
    %jit3A_176 = arith.constant 0.000000e+00 : f32
    %jit3A_177 = arith.constant 1.000000e+00 : f32
    %max3A_178 = vector.broadcast %jit3A_176 : f32 to vector<256x128xf32>
    %max3A_179 = arith.maximumf %max3A_178, %select_n3A_175 : vector<256x128xf32>
    %min3A_180 = vector.broadcast %jit3A_177 : f32 to vector<256x128xf32>
    %min3A_181 = arith.minimumf %min3A_180, %max3A_179 : vector<256x128xf32>
    %min3A_182 = arith.minimumf %min3A_167, %min3A_181 : vector<256x128xf32>
    %roll3A_183 = arith.constant 127 : i32
    %roll3A_184 = tpu.dynamic_rotate %min3A_182 by %roll3A_183 dim 1 : vector<256x128xf32>, i32 -> vector<256x128xf32>
    %select_n3A_185 = arith.select %and3A_96, %roll3A_184, %select_n3A_170 : vector<256x128xi1>, vector<256x128xf32>
    %slice3A_186 = vector.extract_strided_slice %add3A_9 {offsets = [0, 768], sizes = [256, 128], strides = [1, 1]} : vector<256x1792xf32> to vector<256x128xf32>
    %neg3A_187 = arith.constant 0.000000e+00 : f32
    %neg3A_188 = vector.broadcast %neg3A_187 : f32 to vector<256x128xf32>
    %neg3A_189 = arith.subf %neg3A_188, %slice3A_186 : vector<256x128xf32>
    %select_n3A_190 = arith.select %ne3A_49, %neg3A_189, %slice3A_186 : vector<256x128xi1>, vector<256x128xf32>
    %jit3A_191 = arith.constant 0.000000e+00 : f32
    %jit3A_192 = arith.constant 1.000000e+00 : f32
    %max3A_193 = vector.broadcast %jit3A_191 : f32 to vector<256x128xf32>
    %max3A_194 = arith.maximumf %max3A_193, %select_n3A_190 : vector<256x128xf32>
    %min3A_195 = vector.broadcast %jit3A_192 : f32 to vector<256x128xf32>
    %min3A_196 = arith.minimumf %min3A_195, %max3A_194 : vector<256x128xf32>
    %min3A_197 = arith.minimumf %min3A_182, %min3A_196 : vector<256x128xf32>
    %eq3A = arith.constant 127 : i32
    %eq3A_198 = vector.broadcast %eq3A : i32 to vector<256x128xi32>
    %eq3A_199 = arith.cmpi eq, %iota3A, %eq3A_198 : vector<256x128xi32>
    %jit3A_200 = arith.constant 1.000000e+00 : f32
    %broadcast_in_dim3A_201 = vector.broadcast %jit3A_200 : f32 to vector<256x128xf32>
    %select_n3A_202 = arith.select %eq3A_199, %broadcast_in_dim3A_201, %select_n3A_185 : vector<256x128xi1>, vector<256x128xf32>
    %slice3A_203 = vector.extract_strided_slice %add3A_9 {offsets = [0, 896], sizes = [256, 128], strides = [1, 1]} : vector<256x1792xf32> to vector<256x128xf32>
    %slice3A_204 = vector.extract_strided_slice %add3A_9 {offsets = [0, 1024], sizes = [256, 256], strides = [1, 1]} : vector<256x1792xf32> to vector<256x256xf32>
    %slice3A_205 = vector.extract_strided_slice %add3A_9 {offsets = [0, 1280], sizes = [256, 512], strides = [1, 1]} : vector<256x1792xf32> to vector<256x512xf32>
    %jit3A_206 = arith.constant 0.000000e+00 : f32
    %jit3A_207 = arith.constant 1.000000e+00 : f32
    %max3A_208 = vector.broadcast %jit3A_206 : f32 to vector<256x128xf32>
    %max3A_209 = arith.maximumf %max3A_208, %slice3A_203 : vector<256x128xf32>
    %min3A_210 = vector.broadcast %jit3A_207 : f32 to vector<256x128xf32>
    %min3A_211 = arith.minimumf %min3A_210, %max3A_209 : vector<256x128xf32>
    %min3A_212 = arith.minimumf %min3A_197, %min3A_211 : vector<256x128xf32>
    %neg3A_213 = arith.constant 0.000000e+00 : f32
    %neg3A_214 = vector.broadcast %neg3A_213 : f32 to vector<256x128xf32>
    %neg3A_215 = arith.subf %neg3A_214, %slice3A_203 : vector<256x128xf32>
    %jit3A_216 = arith.constant 0.000000e+00 : f32
    %jit3A_217 = arith.constant 1.000000e+00 : f32
    %max3A_218 = vector.broadcast %jit3A_216 : f32 to vector<256x128xf32>
    %max3A_219 = arith.maximumf %max3A_218, %neg3A_215 : vector<256x128xf32>
    %min3A_220 = vector.broadcast %jit3A_217 : f32 to vector<256x128xf32>
    %min3A_221 = arith.minimumf %min3A_220, %max3A_219 : vector<256x128xf32>
    %min3A_222 = arith.minimumf %min3A_197, %min3A_221 : vector<256x128xf32>
    %concatenate3A = tpu.concatenate %min3A_212, %min3A_222 in 1 : vector<256x128xf32>, vector<256x128xf32> -> vector<256x256xf32>
    %jit3A_223 = arith.constant 0.000000e+00 : f32
    %jit3A_224 = arith.constant 1.000000e+00 : f32
    %max3A_225 = vector.broadcast %jit3A_223 : f32 to vector<256x256xf32>
    %max3A_226 = arith.maximumf %max3A_225, %slice3A_204 : vector<256x256xf32>
    %min3A_227 = vector.broadcast %jit3A_224 : f32 to vector<256x256xf32>
    %min3A_228 = arith.minimumf %min3A_227, %max3A_226 : vector<256x256xf32>
    %min3A_229 = arith.minimumf %concatenate3A, %min3A_228 : vector<256x256xf32>
    %neg3A_230 = arith.constant 0.000000e+00 : f32
    %neg3A_231 = vector.broadcast %neg3A_230 : f32 to vector<256x256xf32>
    %neg3A_232 = arith.subf %neg3A_231, %slice3A_204 : vector<256x256xf32>
    %jit3A_233 = arith.constant 0.000000e+00 : f32
    %jit3A_234 = arith.constant 1.000000e+00 : f32
    %max3A_235 = vector.broadcast %jit3A_233 : f32 to vector<256x256xf32>
    %max3A_236 = arith.maximumf %max3A_235, %neg3A_232 : vector<256x256xf32>
    %min3A_237 = vector.broadcast %jit3A_234 : f32 to vector<256x256xf32>
    %min3A_238 = arith.minimumf %min3A_237, %max3A_236 : vector<256x256xf32>
    %min3A_239 = arith.minimumf %concatenate3A, %min3A_238 : vector<256x256xf32>
    %concatenate3A_240 = tpu.concatenate %min3A_229, %min3A_239 in 1 : vector<256x256xf32>, vector<256x256xf32> -> vector<256x512xf32>
    %jit3A_241 = arith.constant 0.000000e+00 : f32
    %jit3A_242 = arith.constant 1.000000e+00 : f32
    %max3A_243 = vector.broadcast %jit3A_241 : f32 to vector<256x512xf32>
    %max3A_244 = arith.maximumf %max3A_243, %slice3A_205 : vector<256x512xf32>
    %min3A_245 = vector.broadcast %jit3A_242 : f32 to vector<256x512xf32>
    %min3A_246 = arith.minimumf %min3A_245, %max3A_244 : vector<256x512xf32>
    %min3A_247 = arith.minimumf %concatenate3A_240, %min3A_246 : vector<256x512xf32>
    %neg3A_248 = arith.constant 0.000000e+00 : f32
    %neg3A_249 = vector.broadcast %neg3A_248 : f32 to vector<256x512xf32>
    %neg3A_250 = arith.subf %neg3A_249, %slice3A_205 : vector<256x512xf32>
    %jit3A_251 = arith.constant 0.000000e+00 : f32
    %jit3A_252 = arith.constant 1.000000e+00 : f32
    %max3A_253 = vector.broadcast %jit3A_251 : f32 to vector<256x512xf32>
    %max3A_254 = arith.maximumf %max3A_253, %neg3A_250 : vector<256x512xf32>
    %min3A_255 = vector.broadcast %jit3A_252 : f32 to vector<256x512xf32>
    %min3A_256 = arith.minimumf %min3A_255, %max3A_254 : vector<256x512xf32>
    %min3A_257 = arith.minimumf %concatenate3A_240, %min3A_256 : vector<256x512xf32>
    %concatenate3A_258 = tpu.concatenate %min3A_247, %min3A_257 in 1 : vector<256x512xf32>, vector<256x512xf32> -> vector<256x1024xf32>
    %concatenate3A_259 = tpu.concatenate %select_n3A_202, %min3A_197, %concatenate3A, %concatenate3A_240, %concatenate3A_258 in 1 : vector<256x128xf32>, vector<256x128xf32>, vector<256x256xf32>, vector<256x512xf32>, vector<256x1024xf32> -> vector<256x2048xf32>
    %get3A_260 = arith.constant 0 : index
    %get3A_261 = arith.constant 0 : index
    %get3A_262 = vector.load %arg1[%get3A_260, %get3A_261] : memref<256x512xf32, #tpu.memory_space<vmem>>, vector<256x512xf32>
    %get3A_263 = arith.constant 0 : index
    %get3A_264 = arith.constant 0 : index
    %get3A_265 = vector.load %arg5[%get3A_263, %get3A_264] : memref<128x2560xf32, #tpu.memory_space<vmem>>, vector<128x512xf32>
    %dot_general3A_266 = arith.constant dense<0.000000e+00> : vector<256x128xf32>
    %dot_general3A_267 = tpu.matmul %get3A_262, %get3A_265, %dot_general3A_266 {dimension_numbers = #tpu.dot_dimension_numbers<[1], [1], [0], [0], [0, 0, 1, 0], [], []>, transpose_lhs_hint = false} : vector<256x512xf32>, vector<128x512xf32>, vector<256x128xf32> -> vector<256x128xf32>
    %get3A_268 = arith.constant 0 : index
    %get3A_269 = arith.constant 0 : index
    %get3A_270 = vector.load %arg6[%get3A_268, %get3A_269] : memref<128x2048xf32, #tpu.memory_space<vmem>>, vector<128x2048xf32>
    %dot_general3A_271 = arith.constant dense<0.000000e+00> : vector<256x128xf32>
    %dot_general3A_272 = tpu.matmul %concatenate3A_259, %get3A_270, %dot_general3A_271 {dimension_numbers = #tpu.dot_dimension_numbers<[1], [1], [0], [0], [0, 0, 1, 0], [], []>, transpose_lhs_hint = false} : vector<256x2048xf32>, vector<128x2048xf32>, vector<256x128xf32> -> vector<256x128xf32>
    %add3A_273 = arith.addf %dot_general3A_267, %dot_general3A_272 : vector<256x128xf32>
    %swap3A = arith.constant 0 : index
    %swap3A_274 = arith.constant 0 : index
    %swap3A_275 = vector.load %arg7[%swap3A, %swap3A_274] : memref<256x128xf32, #tpu.memory_space<vmem>>, vector<256x128xf32>
    tpu.vector_store %arg7[%swap3A, %swap3A_274], %add3A_273 {strides = array<i32>} : memref<256x128xf32, #tpu.memory_space<vmem>>, vector<256x128xf32>,
    return
  }
  func.func @transform_0(%arg0: i32) -> (i32, i32) {
    %c0_i32 = arith.constant 0 : i32
    %c0_i32_0 = arith.constant 0 : i32
    return %arg0, %c0_i32 : i32, i32
  }
  func.func @transform_1(%arg0: i32) -> (i32, i32) {
    %c0_i32 = arith.constant 0 : i32
    %c0_i32_0 = arith.constant 0 : i32
    return %arg0, %c0_i32 : i32, i32
  }
  func.func @transform_2(%arg0: i32) -> (i32, i32) {
    %c0_i32 = arith.constant 0 : i32
    %c0_i32_0 = arith.constant 0 : i32
    %c0_i32_1 = arith.constant 0 : i32
    return %c0_i32, %c0_i32_0 : i32, i32
  }
  func.func @transform_3(%arg0: i32) -> (i32, i32) {
    %c0_i32 = arith.constant 0 : i32
    %c0_i32_0 = arith.constant 0 : i32
    %c0_i32_1 = arith.constant 0 : i32
    return %c0_i32, %c0_i32_0 : i32, i32
  }
  func.func @transform_4(%arg0: i32) -> (i32, i32) {
    %c0_i32 = arith.constant 0 : i32
    %c0_i32_0 = arith.constant 0 : i32
    %c0_i32_1 = arith.constant 0 : i32
    return %c0_i32, %c0_i32_0 : i32, i32
  }
  func.func @transform_5(%arg0: i32) -> (i32, i32) {
    %c0_i32 = arith.constant 0 : i32
    %c0_i32_0 = arith.constant 0 : i32
    %c0_i32_1 = arith.constant 0 : i32
    return %c0_i32, %c0_i32_0 : i32, i32
  }
  func.func @transform_6(%arg0: i32) -> (i32, i32) {
    %c0_i32 = arith.constant 0 : i32
    %c0_i32_0 = arith.constant 0 : i32
    return %arg0, %c0_i32 : i32, i32
  }
}

</mosaic_0001>

<sc_bundles>
// kernel: gather_offload_async_start
scs
__scs_entry_jumppad:
0x0: {  	(pc) =	sbr.rel $0x88, $3  }
0x1: {  	(tag) =	ssettag $0x0;
	lr =	simm.s32 $0x1  }
0x2: {  	[smem:$0x3F9D] =	sst lr;
	_ =	strace $0xD0000000  }
0x3: {  	_ = 	snop  }
0x4: {  	_ = 	snop  }
0x5: {  	_ = 	snop  }
0x6: {  	_ = 	snop  }
0x7: {  	_ = 	snop  }
__scs_overlays_trampoline_lowered:
0x8: {  	[smem:$0x3FAC] =	sst s0  }
0x9: {  	[smem:$0x3FAD] =	sst s1  }
0xa: {  	[smem:$0x3FAE] =	sst s2  }
0xb: {  	[smem:$0x3FAF] =	sst s3  }
0xc: {  	[smem:$0x3FB0] =	sst s4  }
0xd: {  	[smem:$0x3FB1] =	sst s5  }
0xe: {  	[smem:$0x3FB2] =	sst s6  }
0xf: {  	[smem:$0x3FB3] =	sst s7  }
0x10: {  	[smem:$0x3FB4] =	sst s8  }
0x11: {  	[smem:$0x3FB5] =	sst s9;
	s0 =	simm.s32 @!p0 $0x0  }
0x12: {  	s1 =	sld [smem:$0x3F9B];
	s0 =	simm.s32 @p0 $0x1  }
0x13: {  	[smem:$0x3FB6] =	sst s0;
	s0 =	simm.s32 @!p1 $0x0  }
0x14: {  	s2 =	sld [smem:$0x3F9A];
	s0 =	simm.s32 @p1 $0x1  }
0x15: {  	[smem:$0x3FB7] =	sst s0;
	s0 =	simm.s32 @!p2 $0x0  }
0x16: {  	s3 =	sld [smem:$0x3FDB];
	s0 =	simm.s32 @p2 $0x1  }
0x17: {  	s4 =	simm.s32 $0x1BF5;
	[smem:$0x3FB9] =	sst s0  }
0x18: {  	s0 =	sld [smem:$0x3F9C];
	_ =	swait.ge [sflag:s4], $0x0  }
0x19: {  	s7 =	sld [smem:$0x3F9D]  }
0x1a: {  	s8 =	sadd.s32 $0xFFFFE003, lr  }
0x1b: {  	s9 =	sadd.s32 $0xFFFFFEF7, lr;
	s5 =	simm.s32 $0xFFFFFFFF;
	p2 =	slt.u32 s8, $0xFFFFF086  }
0x1c: {  	p1 =	slt.u32 s9, $0xF7A;
	s5 =	simm.s32 @!p2 $0x0  }
0x1d: {  	s5 =	simm.s32 @p1 $0x1;
	p0 =	seq.s32 s7, s2  }
0x1e: {  	s7 =	smul.u32 @!p0 $0xF7A, s2;
	p2 =	seq.s32 @!p0 s5, $0x0  }
0x1f: {  	s9 =	smul.u32 $0xF7A, s1;
	s8 =	simm.s32 @!p0 $0x1BF5;
	p2 =	por !p2, p0  }
0x20: {  	[sflag:s8] =	ssyncset.s32 @!p0 $0xFFFFF086;
	s6 =	sadd.s32 @!p0 s3, s7;
	s7 =	simm.s32 @!p0 $0x108  }
0x21: {  	s3 =	sadd.s32 s3, s9;
	s6 =	sadd.s32 @!p0 $0x88, s6;
	s7 =	simm.s32 @p2 $0x1082  }
0x22: {  	[simem:s7], [sflag:s8] =	dma.local @!p0 [hbm:s6], $0xF7A  }
0x23: {  	s9 =	sor.u32 $0xD0000000, s2;
	s6 =	simm.s32 $0x108;
	_ =	swait.ge @!p0 [sflag:s8], $0x0  }
0x24: {  	s3 =	sadd.s32 $0x88, s3;
	s6 =	simm.s32 @!p1 $0x1082;
	[sflag:s4] =	ssyncset.s32 $0xFFFFF086  }
0x25: {  	[simem:s6], [sflag:s4] =	dma.local [hbm:s3], $0xF7A  }
0x26: {  	[smem:$0x3F9D] =	sst s1;
	(tag) =	ssettag s2;
	_ =	strace s9  }
0x27: {  	s1 =	sld [smem:$0x3FAD]  }
0x28: {  	s2 =	sld [smem:$0x3FAE]  }
0x29: {  	s4 =	sld [smem:$0x3FB0]  }
0x2a: {  	p0 =	seq.s32 s5, $0x0;
	s5 =	sld [smem:$0x3FB1]  }
0x2b: {  	s6 =	sld [smem:$0x3FB2]  }
0x2c: {  	s7 =	sld [smem:$0x3FB3]  }
0x2d: {  	s3 =	simm.s32 $0x108;
	s8 =	sld [smem:$0x3FB4]  }
0x2e: {  	s3 =	simm.s32 @!p0 $0x1082;
	s9 =	sld [smem:$0x3FB5]  }
0x2f: {  	lr =	sadd.s32 s0, s3;
	s0 =	sld [smem:$0x3FAC]  }
0x30: {  	s3 =	sld [smem:$0x3FAF]  }
0x31: {  	[smem:$0x3FB8] =	sst s10  }
0x32: {  	s10 =	sld [smem:$0x3FB6];
	_ =	sdelay $0x3  }
0x33: {  	p0 =	seq.s32 s10, $0x1;
	s10 =	sld [smem:$0x3FB8];
	_ =	sdelay $0x3  }
0x34: {  	[smem:$0x3FB8] =	sst s10  }
0x35: {  	s10 =	sld [smem:$0x3FB7];
	_ =	sdelay $0x3  }
0x36: {  	p1 =	seq.s32 s10, $0x1;
	s10 =	sld [smem:$0x3FB8];
	_ =	sdelay $0x3  }
0x37: {  	[smem:$0x3FB8] =	sst s10  }
0x38: {  	s10 =	sld [smem:$0x3FB9]  }
0x39: {  	_ = 	snop;
	(pc) =	sbr.ind lr, $3  }
0x3a: {  	_ = 	snop  }
0x3b: {  	_ = 	snop  }
0x3c: {  	p2 =	seq.s32 s10, $0x1;
	s10 =	sld [smem:$0x3FB8]  }
0x3d: {  	_ =	shalt  }
0x3e: {  	_ =	shalt  }
0x3f: {  	_ =	shalt  }
0x40: {  	_ =	shalt  }
0x41: {  	_ =	shalt  }
0x42: {  	_ =	shalt  }
0x43: {  	_ =	shalt  }
0x44: {  	_ =	shalt  }
0x45: {  	_ =	shalt  }
0x46: {  	_ =	shalt  }
0x47: {  	_ =	shalt  }
0x48: {  	_ =	shalt  }
0x49: {  	_ =	shalt  }
0x4a: {  	_ =	shalt  }
0x4b: {  	_ =	shalt  }
0x4c: {  	_ =	shalt  }
0x4d: {  	_ =	shalt  }
0x4e: {  	_ =	shalt  }
0x4f: {  	_ =	shalt  }
0x50: {  	_ =	shalt  }
0x51: {  	_ =	shalt  }
0x52: {  	_ =	shalt  }
0x53: {  	_ =	shalt  }
0x54: {  	_ =	shalt  }
0x55: {  	_ =	shalt  }
0x56: {  	_ =	shalt  }
0x57: {  	_ =	shalt  }
0x58: {  	_ =	shalt  }
0x59: {  	_ =	shalt  }
0x5a: {  	_ =	shalt  }
0x5b: {  	_ =	shalt  }
0x5c: {  	_ =	shalt  }
0x5d: {  	_ =	shalt  }
0x5e: {  	_ =	shalt  }
0x5f: {  	_ =	shalt  }
0x60: {  	_ =	shalt  }
0x61: {  	_ =	shalt  }
0x62: {  	_ =	shalt  }
0x63: {  	_ =	shalt  }
0x64: {  	_ =	shalt  }
0x65: {  	_ =	shalt  }
0x66: {  	_ =	shalt  }
0x67: {  	_ =	shalt  }
0x68: {  	_ =	shalt  }
0x69: {  	_ =	shalt  }
0x6a: {  	_ =	shalt  }
0x6b: {  	_ =	shalt  }
0x6c: {  	_ =	shalt  }
0x6d: {  	_ =	shalt  }
0x6e: {  	_ =	shalt  }
0x6f: {  	_ =	shalt  }
0x70: {  	_ =	shalt  }
0x71: {  	_ =	shalt  }
0x72: {  	_ =	shalt  }
0x73: {  	_ =	shalt  }
0x74: {  	_ =	shalt  }
0x75: {  	_ =	shalt  }
0x76: {  	_ =	shalt  }
0x77: {  	_ =	shalt  }
0x78: {  	_ =	shalt  }
0x79: {  	_ =	shalt  }
0x7a: {  	_ =	shalt  }
0x7b: {  	_ =	shalt  }
0x7c: {  	_ =	shalt  }
0x7d: {  	_ =	shalt  }
0x7e: {  	_ =	shalt  }
0x7f: {  	_ =	shalt  }
0x80: {  	_ =	shalt  }
0x81: {  	_ =	shalt  }
0x82: {  	_ =	shalt  }
0x83: {  	_ =	shalt  }
0x84: {  	_ =	shalt  }
0x85: {  	_ =	shalt  }
0x86: {  	_ =	shalt  }
0x87: {  	_ =	shalt  }
.Lfunc_end0:
.L_simem_size_0:
called_computation_lowered:
.L_overlay_start_0:
0x88: {  	s2 =	sld [smem:$0x3FD9]  }
0x89: {  	s3 =	sld [smem:$0x3FFE];
	_ =	sdelay $0x1  }
0x8a: {  	s1 =	srdreg.scid  }
0x8b: {  	s0 =	sand.u32 $0x1, s1  }
0x8c: {  	s17 =	sshll.u32 s0, $0xA;
	s2 =	sadd.s32 s3, s2  }
0x8d: {  	s2 =	sadd.s32 s2, s17  }
0x8e: {  	[smem:$0x3FC4] =	sst s2  }
0x8f: {  	_ = 	snop  }
0x90: {  	s2 =	sld [smem:$0x3FD0];
	(tm) =	ssettm $0x1  }
0x91: {  	s18 =	sld [smem:$0x3FFB];
	_ =	sdelay $0x3  }
0x92: {  	_ =	strace s18  }
0x93: {  	s3 =	sld [smem:$0x3FFC];
	_ =	sdelay $0x3  }
0x94: {  	_ =	strace s3  }
0x95: {  	s3 =	sld [smem:$0x3FFD];
	_ =	sdelay $0x3  }
0x96: {  	_ =	strace s3  }
0x97: {  	_ =	strace $0x8FFFFFFF  }
0x98: {  	s19 =	sld [smem:$0x3FDB];
	_ =	sdelay $0x1  }
0x99: {  	s4 =	simm.s32 $_scs_section_size  }
0x9a: {  	s5 =	simm.s32 $_size__tile_overlayer_lowered;
	s6 =	simm.s32 $_tile_overlayer_lowered  }
0x9b: {  	s22 =	simm.s32 $0x1BFF;
	s21 =	sshll.u32 s6, $0x1;
	s3 =	sadd.s32 s4, s19  }
0x9c: {  	s7 =	simm.s32 $0x0;
	s20 =	sshll.u32 s5, $0x1;
	s5 =	sadd.s32 s21, s3  }
0x9d: {  	[timem:s7], [sflag:s22] =	dma.local [hbm:s5], s20  }
0x9e: {  	_ =	swait.ge [sflag:s22], s20  }
0x9f: {  	s4 =	ssub.s32 $0x0, s20;
	[sflag:s22] =	ssyncset.done $0x0  }
0xa0: {  	[sflag:s22] =	ssyncadd.s32 s4;
	_ =	sdelay $0x1  }
0xa1: {  	s23 =	simm.s32 $0x1B8B  }
0xa2: {  	_ =	swait.ge [sflag:s23], $0x1  }
0xa3: {  	[sflag:s23] =	ssyncset.done $0x0  }
0xa4: {  	s25 =	simm.s32 $0x1B8E;
	s24 =	sld [smem:$0x3FFE];
	[sflag:s23] =	ssyncadd.s32 $0xFFFFFFFF  }
0xa5: {  	s26 =	simm.s32 $execute0_lowered;
	[smem:$0x3FD2] =	sst s25  }
0xa6: {  	s5 =	sshll.u32 s26, $0x1;
	_ =	strace $0x80000046;
	[dreg:$0x1] =	wrdreg $0xFFFFFFFF  }
0xa7: {  	s28 =	simm.s32 $_size_execute0_lowered;
	s3 =	sadd.s32 s3, s5;
	[dreg:$0x0] =	wrdreg $0x0  }
0xa8: {  	s5 =	sshll.u32 s28, $0x1;
	[dreg:$0x2] =	wrdreg s3  }
0xa9: {  	[dreg:$0x3] =	wrdreg s5  }
0xaa: {  	[dreg:$0x4] =	wrdreg $0xC0  }
0xab: {  	_ =	task [dreg:s7], $0x5FFFF  }
0xac: {  	[dreg:$0x1] =	wrdreg $0xFFFFFFFF  }
0xad: {  	[dreg:$0x0] =	wrdreg $0x60  }
0xae: {  	[dreg:$0x2] =	wrdreg s24  }
0xaf: {  	[dreg:$0x3] =	wrdreg s2  }
0xb0: {  	[dreg:$0x4] =	wrdreg $0x9  }
0xb1: {  	_ =	task.clear_ibuf [dreg:s7], $0x5FFFF;
	_ =	strace $0x90000046  }
0xb2: {  	s29 =	simm.s32 $0x9;
	_ =	strace $0x80000048  }
0xb3: {  	_ =	swait.ge [sflag:s29], $0x1  }
0xb4: {  	[sflag:s29] =	ssyncadd.s32 $0xFFFFFFFF  }
0xb5: {  	_ =	strace $0x90000048  }
0xb6: {  	_ =	sfence  }
0xb7: {  	s30 =	sld [smem:$0x0];
	_ =	sdelay $0x2  }
0xb8: {  	s31 =	sshll.u32 s1, $0xD;
	s1 =	sshrl.u32 s1, $0x2  }
0xb9: {  	s3 =	sand.u32 $0x4000, s31;
	s1 =	sadd.s32 s1, s30  }
0xba: {  	s0 =	sor.u32 s3, s0;
	s1 =	sshll.u32 s1, $0x11  }
0xbb: {  	s0 =	sor.u32 s1, s0  }
0xbc: {  	s0 =	sadd.s32 $0x8F2B, s0  }
0xbd: {  	[sflag:s0] =	ssyncadd.remote.s32 $0x1  }
0xbe: {  	_ =	sfence.sel $0xFFFF  }
0xbf: {  	[dreg:$0x0] =	wrdreg $0xFFFFFFFF;
	(pc) =	sbr.abs _section_cstart, $3  }
0xc0: {  	[dreg:$0x1] =	wrdreg $0xFFFFFFFF  }
0xc1: {  	_ =	task.clear_ibuf [dreg:s7], $0x2FFFF;
	_ =	strace $0x9FFFFFFF  }
0xc2: {  	(tm) =	ssettm $0x7FFFFFFF  }
0xc3: {  	_ =	shalt  }
tec
execute0_lowered:
.L_overlay_start_1:
0x0: {  	(tag) =	ssettag $0x1  }
0x1: {  	s1 =	srdreg.scid;
	s6 =	rddreg [dreg:$0x0]  }
0x2: {  	s0 =	stileid.u32;
	s2 =	rddreg [dreg:$0x1];
	s1 =	sshll.u32 s1, $0x5  }
0x3: {  	s7 =	simm.s32 $0x1;
	s3 =	sshll.u32 s0, $0x6;
	s1 =	sand.u32 $0x20, s1  }
0x4: {  	s30 =	simm.s32 $0x2;
	s31 =	simm.s32 $0x3;
	s3 =	sor.u32 s3, s1  }
0x5: {  	s11 =	simm.s32 $0x0;
	s9 =	simm.s32 $0x0;
	s5 =	ssub.s32 $0x700, s3  }
0x6: {  	s4 =	sadd.s32 $0x1200, s6;
	s6 =	sadd.s32 $0x1400, s6;
	s8 =	sand.u32 $0x3E0, s5  }
0x7: {  	s1 =	rddreg [dreg:$0x2];
	_ =	strace $0x80000047;
	p0 =	sne.s32 s8, $0x0  }
0x8: {  	[sflag:s7] =	ssyncpa.u1 $0x0;
	s5 =	sshrl.u32 s5, $0xA;
	s7 =	simm.s32 @!p0 $0x0  }
0x9: {  	s10 =	smov.u32 s3;
	[sflag:s30] =	ssyncpa.u1 $0x0;
	s5 =	sadd.s32 s7, s5  }
0xa: {  	[sflag:s31] =	ssyncpa.u1 $0x0;
	s8 =	simm.s32 $0x0;
	s7 =	sadd.s32 $0x1, s5  }
.LBB2_1:
0xb: {  	p0 =	sge.u32 s9, s5  }
0xc: {  	s31 =	sadd.s32 $0xFFFFFFFF, s9;
	s12 =	sxor.u32 @!p0 $0xFFFFFFFF, s8;
	s13 =	sshrl.u32 @!p0 s10, $0x3  }
0xd: {  	s14 =	sand.u32 @!p0 $0x7, s10;
	s12 =	sand.u32 @!p0 $0x20, s12;
	s13 =	sadd.s32 @!p0 s2, s13  }
0xe: {  	[tilespmem:s12], [sflag:$0x2] =	stream.linear.gather @!p0 [hbm4b:s13+s14], $0x20, $0x38;
	[tilespmem:$0x80] =	vst v63  }
0xf: {  	p0 =	sge.u32 s31, s5  }
0x10: {  	s12 =	simm.s32 @!p0 $0x2  }
0x11: {  	_ =	swait.ge @!p0 [sflag:s12], $0x20  }
0x12: {  	[sflag:s12] =	ssyncset.done @!p0 $0x0  }
0x13: {  	[sflag:s12] =	ssyncadd.s32 @!p0 $0xFFFFFFE0;
	s12 =	sand.u32 @!p0 $0x20, s8  }
0x14: {  	(ifvalue) =	ssetifvalue @!p0 $0x7FFFFFFF;
	v0 =	vld.msk @!p0 [tilespmem:s12+$0x0 ss:$0x1], $0xffff;
	_ =	sdelay $0x4  }
0x15: {  	vm0 =	vgt.s32 @!p0 v0, $0x0  }
0x16: {  	v0 =	vnsel @!p0 vm0, $0x0, v0  }
0x17: {  	v0 =	vmin.u32 @!p0 v0, $0x3FE;
	_ =	sdelay $0x2  }
0x18: {  	s14 =	simm.s32 @!p0 $0x0  }
0x19: {  	s13 =	sor.u32 @!p0 $0x40, s12;
	(ifvalue) =	ssetifvalue @!p0 $0x7FFFFFFF;
	s15 =	sor.u32 @!p0 $0x10, s12;
	vm0 =	vmmov @!p0 $0xffff  }
0x1a: {  	[tilespmem:s13], [sflag:$0x1] =	stream.indirect_vreg.gather @!p0 [hbm4b:s4+s14], $0x1, v0, vm0, $0x4038;
	[tilespmem:$0x80] =	vst v63  }
0x1b: {  	v0 =	vld.msk @!p0 [tilespmem:s15+$0x0 ss:$0x1], $0xffff;
	_ =	sdelay $0x4  }
0x1c: {  	vm1 =	vgt.s32 @!p0 v0, $0x0  }
0x1d: {  	v0 =	vnsel @!p0 vm1, $0x0, v0  }
0x1e: {  	v0 =	vmin.u32 @!p0 v0, $0x3FE;
	_ =	sdelay $0x3  }
0x1f: {  	s12 =	sor.u32 @!p0 $0x50, s12;
	(ifvalue) =	ssetifvalue @!p0 $0x7FFFFFFF  }
0x20: {  	[tilespmem:s12], [sflag:$0x1] =	stream.indirect_vreg.gather @!p0 [hbm4b:s4+s14], $0x1, v0, vm0, $0x4038;
	[tilespmem:$0x80] =	vst v63  }
0x21: {  	s12 =	simm.s32 @!p0 $0x1  }
0x22: {  	_ =	swait.ge @!p0 [sflag:s12], $0x20  }
0x23: {  	s14 =	sshrl.u32 @!p0 s11, $0x3;
	[sflag:s12] =	ssyncset.done @!p0 $0x0  }
0x24: {  	s11 =	sand.u32 @!p0 $0x7, s11;
	[sflag:s12] =	ssyncadd.s32 @!p0 $0xFFFFFFE0;
	s12 =	sadd.s32 @!p0 s6, s14  }
0x25: {  	[hbm4b:s12+s11] =	stream.linear.scatter @!p0 [tilespmem:s13], [sflag:$0x3], $0x20, $0x38;
	[tilespmem:$0x80] =	vst v63  }
0x26: {  	s13 =	sadd.s32 $0x400, s10  }
0x27: {  	p1 =	sgt.s32 s13, $0x6FF  }
0x28: {  	s13 =	smov.u32 @p1 s3;
	p1 =	sne.s32 s9, s7  }
.Ltmp0:
0x29: {  	p0 =	slt.u32 s9, $0x2;
	(pc) =	sbr.rel @p1 .LBB2_1-.Ltmp0, $4  }
0x2a: {  	s12 =	simm.s32 @!p0 $0x3  }
0x2b: {  	_ =	swait.ge @!p0 [sflag:s12], $0x20  }
0x2c: {  	s8 =	sadd.s32 $0x20, s8;
	s11 =	smov.u32 s10;
	[sflag:s12] =	ssyncset.done @!p0 $0x0  }
0x2d: {  	s9 =	sadd.s32 $0x1, s9;
	s10 =	smov.u32 s13;
	[sflag:s12] =	ssyncadd.s32 @!p0 $0xFFFFFFE0  }
0x2e: {  	_ =	sfence.sel $0x180000  }
0x2f: {  	s2 =	simm.s32 $0x2;
	[bflag:$0x0] =	sbarrier.arrive $0xFFFF  }
0x30: {  	s30 =	simm.s32 $0x3;
	[sflag:s2] =	ssyncpa.u1 $0x1  }
0x31: {  	s31 =	simm.s32 $0x1;
	[sflag:s30] =	ssyncpa.u1 $0x1  }
0x32: {  	[sflag:s31] =	ssyncpa.u1 $0x1  }
0x33: {  	p0 =	sne.s32 s0, $0x0;
	_ =	strace $0x90000047  }
0x34: {  	s0 =	sadd.s32 @!p0 $0x100000, s1;
	[bflag:$0x2] =	sbarrier.arrive $0xFFFF  }
0x35: {  	[sflag:s0] =	ssyncadd.tile.s32 @!p0 $0x1;
	_ =	shalt  }
.Lfunc_end2:
_tile_overlayer_lowered:
.L_overlay_start_2:
0x36: {  	(tag) =	ssettag $0x2  }
0x37: {  	s0 =	rddreg [dreg:$0x0];
	s2 =	stileid.u32  }
0x38: {  	s1 =	rddreg [dreg:$0x1];
	p0 =	sne.s32 s2, $0x0  }
0x39: {  	s3 =	rddreg [dreg:$0x2];
	[bflag:$0x3] =	sbarrier.arrive $0xFFFF;
	s2 =	simm.s32 @!p0 $0x1C01  }
0x3a: {  	[timem:s3], [sflag:s2] =	dma.local @!p0 [hbm:s0], s1  }
0x3b: {  	s0 =	simm.s32 @!p0 $0x1  }
0x3c: {  	_ =	swait.ge @!p0 [sflag:s0], s1  }
0x3d: {  	s1 =	ssub.s32 @!p0 $0x0, s1;
	[sflag:s0] =	ssyncset.done @!p0 $0x0  }
0x3e: {  	[sflag:s0] =	ssyncadd.s32 @!p0 s1  }
0x3f: {  	[bflag:$0x3] =	sbarrier.arrive $0xFFFF  }
0x40: {  	_ =	shalt  }

</sc_bundles>
